<compile_context>
chip_gen: v7x
topology: tpu7x:2x2x1
jax: 0.10.2.dev20260603
libtpu: 0.0.44.dev20260713+nightly
codegen_flags: <defaults>
</compile_context>

<pallas_src>
import functools

import jax
import jax.numpy as jnp
from jax import lax
from jax.experimental import pallas as pl
from jax.experimental.pallas import tpu as pltpu
from jax.experimental.pallas import tpu_sc as plsc

_NC = 2
_NS = 16
_NW = _NC * _NS

_M = 1000
_N = 1000
_NP = 1024
_B = 16384
_D = 64
_BPW = _B // _NW

def _matmul_body(ut_ref, it_ref, g_ref, ip_ref):
    ip_ref[:, pl.ds(0, _N)] = it_ref[...]
    ip_ref[:, pl.ds(_N, _NP - _N)] = jnp.zeros((_D, _NP - _N), jnp.float32)
    g = lax.dot_general(ut_ref[...], ip_ref[...], (((0,), (0,)), ((), ())),
                        preferred_element_type=jnp.float32)
    for c in range(_NP // 128):
        g_ref[pl.ds(c * _M * 128, _M * 128)] = (
            g[:, c * 128:(c + 1) * 128].reshape(_M * 128))


def _predictions_flat(UT, IT):
    return pl.pallas_call(
        _matmul_body,
        out_shape=jax.ShapeDtypeStruct((_M * _NP, ), jnp.float32),
        scratch_shapes=[pltpu.VMEM((_D, _NP), jnp.float32)],
    )(UT, IT)


def _sc_body(packed_hbm, rate_hbm, g_hbm, out_hbm,
             uidx_v, sidx_v, rate_v, fidx_v, g_v, part_v, *sems):
    wid = lax.axis_index("s") * _NC + lax.axis_index("c")
    base = wid * _BPW

    in_cps = [
        pltpu.async_copy(packed_hbm.at[pl.ds(base, _BPW)], uidx_v, sems[4]),
        pltpu.async_copy(packed_hbm.at[pl.ds(_B + base, _BPW)], sidx_v,
                         sems[5]),
        pltpu.async_copy(rate_hbm.at[pl.ds(base, _BPW)], rate_v, sems[6]),
    ]
    in_cps[0].wait()
    in_cps[1].wait()

    def flat_idx(k, carry):
        sl = pl.ds(k * 16, 16)
        u = uidx_v[sl]
        s = sidx_v[sl]
        fidx_v[sl] = (s >> 7) * (_M * 128) + (u << 7) + (s & 127)
        return carry

    chunk = _BPW // 4
    cps = []
    for c in range(4):
        lax.fori_loop(c * (chunk // 16), (c + 1) * (chunk // 16), flat_idx, 0)
        sl = pl.ds(c * chunk, chunk)
        cps.append(pltpu.async_copy(g_hbm.at[fidx_v.at[sl]], g_v.at[sl],
                                    sems[c]))
    in_cps[2].wait()
    for cp in cps:
        cp.wait()

    def accum(k, tot16):
        sl = pl.ds(k * 16, 16)
        d = g_v[sl] - rate_v[sl]
        return tot16 + d * d

    tot16 = lax.fori_loop(0, _BPW // 16, accum, jnp.zeros((16,), jnp.float32))

    part_v[...] = tot16
    pltpu.sync_copy(part_v, out_hbm.at[wid])


@functools.partial(
    pl.kernel,
    out_type=jax.ShapeDtypeStruct((_NW, 16), jnp.float32),
    mesh=plsc.VectorSubcoreMesh(core_axis_name="c", subcore_axis_name="s"),
    compiler_params=pltpu.CompilerParams(use_tc_tiling_on_sc=False),
    scratch_types=[
        pltpu.VMEM((_BPW,), jnp.int32),
        pltpu.VMEM((_BPW,), jnp.int32),
        pltpu.VMEM((_BPW,), jnp.float32),
        pltpu.VMEM((_BPW,), jnp.int32),
        pltpu.VMEM((_BPW,), jnp.float32),
        pltpu.VMEM((16,), jnp.float32),
        pltpu.SemaphoreType.DMA,
        pltpu.SemaphoreType.DMA,
        pltpu.SemaphoreType.DMA,
        pltpu.SemaphoreType.DMA,
        pltpu.SemaphoreType.DMA,
        pltpu.SemaphoreType.DMA,
        pltpu.SemaphoreType.DMA,
    ],
)
def _mse_partials(packed_hbm, rate_hbm, g_hbm, out_hbm,
                  uidx_v, sidx_v, rate_v, fidx_v, g_v, part_v, *sems):
    _sc_body(packed_hbm, rate_hbm, g_hbm, out_hbm,
             uidx_v, sidx_v, rate_v, fidx_v, g_v, part_v, *sems)


def kernel(rate, U, I, u_index, s_index):
    g = _predictions_flat(jnp.swapaxes(U, 0, 1), jnp.swapaxes(I, 0, 1))
    packed = jnp.concatenate(
        [u_index.astype(jnp.int32), s_index.astype(jnp.int32)])
    parts = _mse_partials(packed, rate, g)
    return jnp.sum(parts) * jnp.float32(1.0 / _B)

# --- scband reference (transcript-rebuilt; emitter-appended) ---
"""Pipeline reference for scband-mf-78176994722149 (READ-ONLY COPY).

The authoritative reference and input builder live on the scoring server;
editing this copy changes nothing except your own understanding.
"""

import jax, jax.numpy as jnp
import numpy as np

M = 1000  # len(uid_list)
N = 1000  # len(sid_list)
D = 64    # d
B = 16384 # batch


def setup_inputs(seed: int = 0) -> dict:
    key = jax.random.key(seed)
    k1, k2, k3, k4 = jax.random.split(key, 4)
    u_index = jax.random.randint(k1, (B,), 0, M)
    s_index = jax.random.randint(k2, (B,), 0, N)
    rate = jax.random.uniform(k3, (B,), dtype=jnp.float32, minval=0.0, maxval=5.0)
    # Learned parameters, sized/initialized exactly as in MF.__init__:
    U = jnp.zeros((M, D), dtype=jnp.float32)          # self.U = nn.Parameter(torch.zeros(M, d))
    I = jax.random.normal(k4, (N, D), dtype=jnp.float32)  # self.I = nn.Parameter(torch.randn(N, d))
    return {"rate": rate, "U": U, "I": I, "u_index": u_index, "s_index": s_index}


def reference(rate, U, I, u_index, s_index):
    # Faithful translation of MF.train_one_iter's loss computation:
    # loss = (((self.U[u_index] * self.I[s_index]).sum(1) - rate) ** 2).mean()
    u_emb = jnp.take(U, u_index, axis=0)
    i_emb = jnp.take(I, s_index, axis=0)
    pred = jnp.sum(u_emb * i_emb, axis=1)
    loss = jnp.mean((pred - rate) ** 2)
    return loss

if __name__ == "__main__":
    import jax
    _d = setup_inputs()
    print(jax.jit(kernel)(*tuple(_d.values())))

</pallas_src>

<mosaic_0001>
#map = affine_map<(d0, d1) -> (0)>
#map1 = affine_map<(d0, d1) -> (0, 0)>
module attributes {stable_mosaic.version = 14 : i64} {
  func.func @_mse_partials(%arg0: i32, %arg1: i32, %arg2: memref<32768xi32, #tpu.memory_space<hbm>>, %arg3: memref<16384xf32, #tpu.memory_space<hbm>>, %arg4: memref<1024000xf32, #tpu.memory_space<hbm>>, %arg5: memref<32x16xf32, #tpu.memory_space<hbm>>, %arg6: memref<512xi32, #tpu.memory_space<vmem>>, %arg7: memref<512xi32, #tpu.memory_space<vmem>>, %arg8: memref<512xf32, #tpu.memory_space<vmem>>, %arg9: memref<512xi32, #tpu.memory_space<vmem>>, %arg10: memref<512xf32, #tpu.memory_space<vmem>>, %arg11: memref<16xf32, #tpu.memory_space<vmem>>, %arg12: memref<!tpu.dma_semaphore, #tpu.memory_space<semaphore_mem>>, %arg13: memref<!tpu.dma_semaphore, #tpu.memory_space<semaphore_mem>>, %arg14: memref<!tpu.dma_semaphore, #tpu.memory_space<semaphore_mem>>, %arg15: memref<!tpu.dma_semaphore, #tpu.memory_space<semaphore_mem>>, %arg16: memref<!tpu.dma_semaphore, #tpu.memory_space<semaphore_mem>>, %arg17: memref<!tpu.dma_semaphore, #tpu.memory_space<semaphore_mem>>, %arg18: memref<!tpu.dma_semaphore, #tpu.memory_space<semaphore_mem>>) attributes {dimension_semantics = [#tpu.dimension_semantics<core_parallel>, #tpu.dimension_semantics<subcore_parallel>], iteration_bounds = array<i64: 2, 16>, scalar_prefetch = 0 : i64, scratch_operands = 13 : i64, tpu.core_type = #tpu.core_type<sc_vector_subcore>, window_params = [{transform_indices = #map}, {transform_indices = #map}, {transform_indices = #map}, {transform_indices = #map1}]} {
    %mul3A = arith.constant 2 : i32
    %mul3A_0 = arith.muli %arg1, %mul3A : i32
    %add3A = arith.addi %mul3A_0, %arg0 : i32
    %mul3A_1 = arith.constant 512 : i32
    %mul3A_2 = arith.muli %add3A, %mul3A_1 : i32
    %dma_start3A = tpu.memref_slice %arg2[%mul3A_2] : memref<32768xi32, #tpu.memory_space<hbm>> -> memref<512xi32, #tpu.memory_space<hbm>>
    %dma_start3A_3 = tpu.memref_slice %arg2[%mul3A_2] : memref<32768xi32, #tpu.memory_space<hbm>> -> memref<512xi32, #tpu.memory_space<hbm>>
    tpu.enqueue_dma source(%dma_start3A_3 : memref<512xi32, #tpu.memory_space<hbm>>) target(%arg6 : memref<512xi32, #tpu.memory_space<vmem>>) target_semaphore(%arg16 : memref<!tpu.dma_semaphore, #tpu.memory_space<semaphore_mem>>)
    %add3A_4 = arith.constant 16384 : i32
    %add3A_5 = arith.addi %add3A_4, %mul3A_2 : i32
    %dma_start3A_6 = tpu.memref_slice %arg2[%add3A_5] : memref<32768xi32, #tpu.memory_space<hbm>> -> memref<512xi32, #tpu.memory_space<hbm>>
    %dma_start3A_7 = tpu.memref_slice %arg2[%add3A_5] : memref<32768xi32, #tpu.memory_space<hbm>> -> memref<512xi32, #tpu.memory_space<hbm>>
    tpu.enqueue_dma source(%dma_start3A_7 : memref<512xi32, #tpu.memory_space<hbm>>) target(%arg7 : memref<512xi32, #tpu.memory_space<vmem>>) target_semaphore(%arg17 : memref<!tpu.dma_semaphore, #tpu.memory_space<semaphore_mem>>)
    %dma_start3A_8 = tpu.memref_slice %arg3[%mul3A_2] : memref<16384xf32, #tpu.memory_space<hbm>> -> memref<512xf32, #tpu.memory_space<hbm>>
    %dma_start3A_9 = tpu.memref_slice %arg3[%mul3A_2] : memref<16384xf32, #tpu.memory_space<hbm>> -> memref<512xf32, #tpu.memory_space<hbm>>
    tpu.enqueue_dma source(%dma_start3A_9 : memref<512xf32, #tpu.memory_space<hbm>>) target(%arg8 : memref<512xf32, #tpu.memory_space<vmem>>) target_semaphore(%arg18 : memref<!tpu.dma_semaphore, #tpu.memory_space<semaphore_mem>>)
    %dma_wait3A = tpu.memref_slice %arg2[%mul3A_2] : memref<32768xi32, #tpu.memory_space<hbm>> -> memref<512xi32, #tpu.memory_space<hbm>>
    %dma_wait3A_10 = tpu.memref_slice %arg2[%mul3A_2] : memref<32768xi32, #tpu.memory_space<hbm>> -> memref<512xi32, #tpu.memory_space<hbm>>
    tpu.wait_dma2 semaphore(%arg16 : memref<!tpu.dma_semaphore, #tpu.memory_space<semaphore_mem>>) src(%dma_wait3A_10 : memref<512xi32, #tpu.memory_space<hbm>>) dst(%arg6 : memref<512xi32, #tpu.memory_space<vmem>>)
    %dma_wait3A_11 = tpu.memref_slice %arg2[%add3A_5] : memref<32768xi32, #tpu.memory_space<hbm>> -> memref<512xi32, #tpu.memory_space<hbm>>
    %dma_wait3A_12 = tpu.memref_slice %arg2[%add3A_5] : memref<32768xi32, #tpu.memory_space<hbm>> -> memref<512xi32, #tpu.memory_space<hbm>>
    tpu.wait_dma2 semaphore(%arg17 : memref<!tpu.dma_semaphore, #tpu.memory_space<semaphore_mem>>) src(%dma_wait3A_12 : memref<512xi32, #tpu.memory_space<hbm>>) dst(%arg7 : memref<512xi32, #tpu.memory_space<vmem>>)
    %scan3A = arith.constant 0 : i32
    %scan3A_13 = arith.constant 0 : i32
    %scan3A_14 = arith.constant 8 : i32
    %scan3A_15 = arith.addi %scan3A_13, %scan3A_14 : i32
    %scan3A_16 = arith.constant 1 : i32
    scf.for %scan3A_96 = %scan3A_13 to %scan3A_15 step %scan3A_16  : i32 {
      %mul3A_97 = arith.constant 16 : i32
      %mul3A_98 = arith.muli %scan3A_96, %mul3A_97 : i32
      %get3A = arith.index_cast %mul3A_98 : i32 to index
      %get3A_99 = tpu.vector_load %arg6[%get3A] {strides = array<i32>} : memref<512xi32, #tpu.memory_space<vmem>>, vector<16xi32>,
      %get3A_100 = vector.shape_cast %get3A_99 : vector<16xi32> to vector<16xi32>
      %get3A_101 = arith.index_cast %mul3A_98 : i32 to index
      %get3A_102 = tpu.vector_load %arg7[%get3A_101] {strides = array<i32>} : memref<512xi32, #tpu.memory_space<vmem>>, vector<16xi32>,
      %get3A_103 = vector.shape_cast %get3A_102 : vector<16xi32> to vector<16xi32>
      %shift_right_arithmetic3A = arith.constant 7 : i32
      %shift_right_arithmetic3A_104 = vector.broadcast %shift_right_arithmetic3A : i32 to vector<16xi32>
      %shift_right_arithmetic3A_105 = arith.shrsi %get3A_103, %shift_right_arithmetic3A_104 : vector<16xi32>
      %mul3A_106 = arith.constant 128000 : i32
      %mul3A_107 = vector.broadcast %mul3A_106 : i32 to vector<16xi32>
      %mul3A_108 = arith.muli %shift_right_arithmetic3A_105, %mul3A_107 : vector<16xi32>
      %shift_left3A = arith.constant 7 : i32
      %shift_left3A_109 = vector.broadcast %shift_left3A : i32 to vector<16xi32>
      %shift_left3A_110 = arith.shli %get3A_100, %shift_left3A_109 : vector<16xi32>
      %add3A_111 = arith.addi %mul3A_108, %shift_left3A_110 : vector<16xi32>
      %and3A = arith.constant 127 : i32
      %and3A_112 = vector.broadcast %and3A : i32 to vector<16xi32>
      %and3A_113 = arith.andi %get3A_103, %and3A_112 : vector<16xi32>
      %add3A_114 = arith.addi %add3A_111, %and3A_113 : vector<16xi32>
      %swap3A_115 = arith.index_cast %mul3A_98 : i32 to index
      %swap3A_116 = tpu.vector_load %arg9[%swap3A_115] {strides = array<i32>} : memref<512xi32, #tpu.memory_space<vmem>>, vector<16xi32>,
      %swap3A_117 = vector.shape_cast %swap3A_116 : vector<16xi32> to vector<16xi32>
      %swap3A_118 = vector.shape_cast %add3A_114 : vector<16xi32> to vector<16xi32>
      tpu.vector_store %arg9[%swap3A_115], %swap3A_118 {strides = array<i32>} : memref<512xi32, #tpu.memory_space<vmem>>, vector<16xi32>,
    }
    %scan3A_17 = arith.constant 8 : i32
    %dma_start3A_18 = arith.constant 0 : i32
    %dma_start3A_19 = tpu.memref_slice %arg10[%dma_start3A_18] : memref<512xf32, #tpu.memory_space<vmem>> -> memref<128xf32, #tpu.memory_space<vmem>>
    %dma_start3A_20 = arith.constant 0 : i32
    %dma_start3A_21 = tpu.memref_slice %arg9[%dma_start3A_20] : memref<512xi32, #tpu.memory_space<vmem>> -> memref<128xi32, #tpu.memory_space<vmem>>
    %dma_start3A_22 = arith.constant 0 : i32
    %dma_start3A_23 = tpu.memref_slice %arg4[%dma_start3A_22] : memref<1024000xf32, #tpu.memory_space<hbm>> -> memref<1024000xf32, #tpu.memory_space<hbm>>
    tpu.enqueue_indirect_dma source(%dma_start3A_23 : memref<1024000xf32, #tpu.memory_space<hbm>>) target(%dma_start3A_19 : memref<128xf32, #tpu.memory_space<vmem>>) offsets(%dma_start3A_21 : memref<128xi32, #tpu.memory_space<vmem>>) semaphore(%arg12 : memref<!tpu.dma_semaphore, #tpu.memory_space<semaphore_mem>>)
    %scan3A_24 = arith.constant 0 : i32
    %scan3A_25 = arith.constant 8 : i32
    %scan3A_26 = arith.constant 8 : i32
    %scan3A_27 = arith.addi %scan3A_25, %scan3A_26 : i32
    %scan3A_28 = arith.constant 1 : i32
    scf.for %scan3A_96 = %scan3A_25 to %scan3A_27 step %scan3A_28  : i32 {
      %mul3A_97 = arith.constant 16 : i32
      %mul3A_98 = arith.muli %scan3A_96, %mul3A_97 : i32
      %get3A = arith.index_cast %mul3A_98 : i32 to index
      %get3A_99 = tpu.vector_load %arg6[%get3A] {strides = array<i32>} : memref<512xi32, #tpu.memory_space<vmem>>, vector<16xi32>,
      %get3A_100 = vector.shape_cast %get3A_99 : vector<16xi32> to vector<16xi32>
      %get3A_101 = arith.index_cast %mul3A_98 : i32 to index
      %get3A_102 = tpu.vector_load %arg7[%get3A_101] {strides = array<i32>} : memref<512xi32, #tpu.memory_space<vmem>>, vector<16xi32>,
      %get3A_103 = vector.shape_cast %get3A_102 : vector<16xi32> to vector<16xi32>
      %shift_right_arithmetic3A = arith.constant 7 : i32
      %shift_right_arithmetic3A_104 = vector.broadcast %shift_right_arithmetic3A : i32 to vector<16xi32>
      %shift_right_arithmetic3A_105 = arith.shrsi %get3A_103, %shift_right_arithmetic3A_104 : vector<16xi32>
      %mul3A_106 = arith.constant 128000 : i32
      %mul3A_107 = vector.broadcast %mul3A_106 : i32 to vector<16xi32>
      %mul3A_108 = arith.muli %shift_right_arithmetic3A_105, %mul3A_107 : vector<16xi32>
      %shift_left3A = arith.constant 7 : i32
      %shift_left3A_109 = vector.broadcast %shift_left3A : i32 to vector<16xi32>
      %shift_left3A_110 = arith.shli %get3A_100, %shift_left3A_109 : vector<16xi32>
      %add3A_111 = arith.addi %mul3A_108, %shift_left3A_110 : vector<16xi32>
      %and3A = arith.constant 127 : i32
      %and3A_112 = vector.broadcast %and3A : i32 to vector<16xi32>
      %and3A_113 = arith.andi %get3A_103, %and3A_112 : vector<16xi32>
      %add3A_114 = arith.addi %add3A_111, %and3A_113 : vector<16xi32>
      %swap3A_115 = arith.index_cast %mul3A_98 : i32 to index
      %swap3A_116 = tpu.vector_load %arg9[%swap3A_115] {strides = array<i32>} : memref<512xi32, #tpu.memory_space<vmem>>, vector<16xi32>,
      %swap3A_117 = vector.shape_cast %swap3A_116 : vector<16xi32> to vector<16xi32>
      %swap3A_118 = vector.shape_cast %add3A_114 : vector<16xi32> to vector<16xi32>
      tpu.vector_store %arg9[%swap3A_115], %swap3A_118 {strides = array<i32>} : memref<512xi32, #tpu.memory_space<vmem>>, vector<16xi32>,
    }
    %scan3A_29 = arith.constant 8 : i32
    %dma_start3A_30 = arith.constant 128 : i32
    %dma_start3A_31 = tpu.memref_slice %arg10[%dma_start3A_30] : memref<512xf32, #tpu.memory_space<vmem>> -> memref<128xf32, #tpu.memory_space<vmem>>
    %dma_start3A_32 = arith.constant 128 : i32
    %dma_start3A_33 = tpu.memref_slice %arg9[%dma_start3A_32] : memref<512xi32, #tpu.memory_space<vmem>> -> memref<128xi32, #tpu.memory_space<vmem>>
    %dma_start3A_34 = arith.constant 0 : i32
    %dma_start3A_35 = tpu.memref_slice %arg4[%dma_start3A_34] : memref<1024000xf32, #tpu.memory_space<hbm>> -> memref<1024000xf32, #tpu.memory_space<hbm>>
    tpu.enqueue_indirect_dma source(%dma_start3A_35 : memref<1024000xf32, #tpu.memory_space<hbm>>) target(%dma_start3A_31 : memref<128xf32, #tpu.memory_space<vmem>>) offsets(%dma_start3A_33 : memref<128xi32, #tpu.memory_space<vmem>>) semaphore(%arg13 : memref<!tpu.dma_semaphore, #tpu.memory_space<semaphore_mem>>)
    %scan3A_36 = arith.constant 0 : i32
    %scan3A_37 = arith.constant 16 : i32
    %scan3A_38 = arith.constant 8 : i32
    %scan3A_39 = arith.addi %scan3A_37, %scan3A_38 : i32
    %scan3A_40 = arith.constant 1 : i32
    scf.for %scan3A_96 = %scan3A_37 to %scan3A_39 step %scan3A_40  : i32 {
      %mul3A_97 = arith.constant 16 : i32
      %mul3A_98 = arith.muli %scan3A_96, %mul3A_97 : i32
      %get3A = arith.index_cast %mul3A_98 : i32 to index
      %get3A_99 = tpu.vector_load %arg6[%get3A] {strides = array<i32>} : memref<512xi32, #tpu.memory_space<vmem>>, vector<16xi32>,
      %get3A_100 = vector.shape_cast %get3A_99 : vector<16xi32> to vector<16xi32>
      %get3A_101 = arith.index_cast %mul3A_98 : i32 to index
      %get3A_102 = tpu.vector_load %arg7[%get3A_101] {strides = array<i32>} : memref<512xi32, #tpu.memory_space<vmem>>, vector<16xi32>,
      %get3A_103 = vector.shape_cast %get3A_102 : vector<16xi32> to vector<16xi32>
      %shift_right_arithmetic3A = arith.constant 7 : i32
      %shift_right_arithmetic3A_104 = vector.broadcast %shift_right_arithmetic3A : i32 to vector<16xi32>
      %shift_right_arithmetic3A_105 = arith.shrsi %get3A_103, %shift_right_arithmetic3A_104 : vector<16xi32>
      %mul3A_106 = arith.constant 128000 : i32
      %mul3A_107 = vector.broadcast %mul3A_106 : i32 to vector<16xi32>
      %mul3A_108 = arith.muli %shift_right_arithmetic3A_105, %mul3A_107 : vector<16xi32>
      %shift_left3A = arith.constant 7 : i32
      %shift_left3A_109 = vector.broadcast %shift_left3A : i32 to vector<16xi32>
      %shift_left3A_110 = arith.shli %get3A_100, %shift_left3A_109 : vector<16xi32>
      %add3A_111 = arith.addi %mul3A_108, %shift_left3A_110 : vector<16xi32>
      %and3A = arith.constant 127 : i32
      %and3A_112 = vector.broadcast %and3A : i32 to vector<16xi32>
      %and3A_113 = arith.andi %get3A_103, %and3A_112 : vector<16xi32>
      %add3A_114 = arith.addi %add3A_111, %and3A_113 : vector<16xi32>
      %swap3A_115 = arith.index_cast %mul3A_98 : i32 to index
      %swap3A_116 = tpu.vector_load %arg9[%swap3A_115] {strides = array<i32>} : memref<512xi32, #tpu.memory_space<vmem>>, vector<16xi32>,
      %swap3A_117 = vector.shape_cast %swap3A_116 : vector<16xi32> to vector<16xi32>
      %swap3A_118 = vector.shape_cast %add3A_114 : vector<16xi32> to vector<16xi32>
      tpu.vector_store %arg9[%swap3A_115], %swap3A_118 {strides = array<i32>} : memref<512xi32, #tpu.memory_space<vmem>>, vector<16xi32>,
    }
    %scan3A_41 = arith.constant 8 : i32
    %dma_start3A_42 = arith.constant 256 : i32
    %dma_start3A_43 = tpu.memref_slice %arg10[%dma_start3A_42] : memref<512xf32, #tpu.memory_space<vmem>> -> memref<128xf32, #tpu.memory_space<vmem>>
    %dma_start3A_44 = arith.constant 256 : i32
    %dma_start3A_45 = tpu.memref_slice %arg9[%dma_start3A_44] : memref<512xi32, #tpu.memory_space<vmem>> -> memref<128xi32, #tpu.memory_space<vmem>>
    %dma_start3A_46 = arith.constant 0 : i32
    %dma_start3A_47 = tpu.memref_slice %arg4[%dma_start3A_46] : memref<1024000xf32, #tpu.memory_space<hbm>> -> memref<1024000xf32, #tpu.memory_space<hbm>>
    tpu.enqueue_indirect_dma source(%dma_start3A_47 : memref<1024000xf32, #tpu.memory_space<hbm>>) target(%dma_start3A_43 : memref<128xf32, #tpu.memory_space<vmem>>) offsets(%dma_start3A_45 : memref<128xi32, #tpu.memory_space<vmem>>) semaphore(%arg14 : memref<!tpu.dma_semaphore, #tpu.memory_space<semaphore_mem>>)
    %scan3A_48 = arith.constant 0 : i32
    %scan3A_49 = arith.constant 24 : i32
    %scan3A_50 = arith.constant 8 : i32
    %scan3A_51 = arith.addi %scan3A_49, %scan3A_50 : i32
    %scan3A_52 = arith.constant 1 : i32
    scf.for %scan3A_96 = %scan3A_49 to %scan3A_51 step %scan3A_52  : i32 {
      %mul3A_97 = arith.constant 16 : i32
      %mul3A_98 = arith.muli %scan3A_96, %mul3A_97 : i32
      %get3A = arith.index_cast %mul3A_98 : i32 to index
      %get3A_99 = tpu.vector_load %arg6[%get3A] {strides = array<i32>} : memref<512xi32, #tpu.memory_space<vmem>>, vector<16xi32>,
      %get3A_100 = vector.shape_cast %get3A_99 : vector<16xi32> to vector<16xi32>
      %get3A_101 = arith.index_cast %mul3A_98 : i32 to index
      %get3A_102 = tpu.vector_load %arg7[%get3A_101] {strides = array<i32>} : memref<512xi32, #tpu.memory_space<vmem>>, vector<16xi32>,
      %get3A_103 = vector.shape_cast %get3A_102 : vector<16xi32> to vector<16xi32>
      %shift_right_arithmetic3A = arith.constant 7 : i32
      %shift_right_arithmetic3A_104 = vector.broadcast %shift_right_arithmetic3A : i32 to vector<16xi32>
      %shift_right_arithmetic3A_105 = arith.shrsi %get3A_103, %shift_right_arithmetic3A_104 : vector<16xi32>
      %mul3A_106 = arith.constant 128000 : i32
      %mul3A_107 = vector.broadcast %mul3A_106 : i32 to vector<16xi32>
      %mul3A_108 = arith.muli %shift_right_arithmetic3A_105, %mul3A_107 : vector<16xi32>
      %shift_left3A = arith.constant 7 : i32
      %shift_left3A_109 = vector.broadcast %shift_left3A : i32 to vector<16xi32>
      %shift_left3A_110 = arith.shli %get3A_100, %shift_left3A_109 : vector<16xi32>
      %add3A_111 = arith.addi %mul3A_108, %shift_left3A_110 : vector<16xi32>
      %and3A = arith.constant 127 : i32
      %and3A_112 = vector.broadcast %and3A : i32 to vector<16xi32>
      %and3A_113 = arith.andi %get3A_103, %and3A_112 : vector<16xi32>
      %add3A_114 = arith.addi %add3A_111, %and3A_113 : vector<16xi32>
      %swap3A_115 = arith.index_cast %mul3A_98 : i32 to index
      %swap3A_116 = tpu.vector_load %arg9[%swap3A_115] {strides = array<i32>} : memref<512xi32, #tpu.memory_space<vmem>>, vector<16xi32>,
      %swap3A_117 = vector.shape_cast %swap3A_116 : vector<16xi32> to vector<16xi32>
      %swap3A_118 = vector.shape_cast %add3A_114 : vector<16xi32> to vector<16xi32>
      tpu.vector_store %arg9[%swap3A_115], %swap3A_118 {strides = array<i32>} : memref<512xi32, #tpu.memory_space<vmem>>, vector<16xi32>,
    }
    %scan3A_53 = arith.constant 8 : i32
    %dma_start3A_54 = arith.constant 384 : i32
    %dma_start3A_55 = tpu.memref_slice %arg10[%dma_start3A_54] : memref<512xf32, #tpu.memory_space<vmem>> -> memref<128xf32, #tpu.memory_space<vmem>>
    %dma_start3A_56 = arith.constant 384 : i32
    %dma_start3A_57 = tpu.memref_slice %arg9[%dma_start3A_56] : memref<512xi32, #tpu.memory_space<vmem>> -> memref<128xi32, #tpu.memory_space<vmem>>
    %dma_start3A_58 = arith.constant 0 : i32
    %dma_start3A_59 = tpu.memref_slice %arg4[%dma_start3A_58] : memref<1024000xf32, #tpu.memory_space<hbm>> -> memref<1024000xf32, #tpu.memory_space<hbm>>
    tpu.enqueue_indirect_dma source(%dma_start3A_59 : memref<1024000xf32, #tpu.memory_space<hbm>>) target(%dma_start3A_55 : memref<128xf32, #tpu.memory_space<vmem>>) offsets(%dma_start3A_57 : memref<128xi32, #tpu.memory_space<vmem>>) semaphore(%arg15 : memref<!tpu.dma_semaphore, #tpu.memory_space<semaphore_mem>>)
    %dma_wait3A_60 = tpu.memref_slice %arg3[%mul3A_2] : memref<16384xf32, #tpu.memory_space<hbm>> -> memref<512xf32, #tpu.memory_space<hbm>>
    %dma_wait3A_61 = tpu.memref_slice %arg3[%mul3A_2] : memref<16384xf32, #tpu.memory_space<hbm>> -> memref<512xf32, #tpu.memory_space<hbm>>
    tpu.wait_dma2 semaphore(%arg18 : memref<!tpu.dma_semaphore, #tpu.memory_space<semaphore_mem>>) src(%dma_wait3A_61 : memref<512xf32, #tpu.memory_space<hbm>>) dst(%arg8 : memref<512xf32, #tpu.memory_space<vmem>>)
    %dma_wait3A_62 = arith.constant 0 : i32
    %dma_wait3A_63 = tpu.memref_slice %arg10[%dma_wait3A_62] : memref<512xf32, #tpu.memory_space<vmem>> -> memref<128xf32, #tpu.memory_space<vmem>>
    %dma_wait3A_64 = arith.constant 0 : i32
    %dma_wait3A_65 = tpu.memref_slice %arg9[%dma_wait3A_64] : memref<512xi32, #tpu.memory_space<vmem>> -> memref<128xi32, #tpu.memory_space<vmem>>
    %dma_wait3A_66 = arith.constant 0 : i32
    %dma_wait3A_67 = tpu.memref_slice %arg4[%dma_wait3A_66] : memref<1024000xf32, #tpu.memory_space<hbm>> -> memref<1024000xf32, #tpu.memory_space<hbm>>
    tpu.wait_indirect_dma semaphore(%arg12 : memref<!tpu.dma_semaphore, #tpu.memory_space<semaphore_mem>>) src(%dma_wait3A_67 : memref<1024000xf32, #tpu.memory_space<hbm>>) dst(%dma_wait3A_63 : memref<128xf32, #tpu.memory_space<vmem>>)
    %dma_wait3A_68 = arith.constant 128 : i32
    %dma_wait3A_69 = tpu.memref_slice %arg10[%dma_wait3A_68] : memref<512xf32, #tpu.memory_space<vmem>> -> memref<128xf32, #tpu.memory_space<vmem>>
    %dma_wait3A_70 = arith.constant 128 : i32
    %dma_wait3A_71 = tpu.memref_slice %arg9[%dma_wait3A_70] : memref<512xi32, #tpu.memory_space<vmem>> -> memref<128xi32, #tpu.memory_space<vmem>>
    %dma_wait3A_72 = arith.constant 0 : i32
    %dma_wait3A_73 = tpu.memref_slice %arg4[%dma_wait3A_72] : memref<1024000xf32, #tpu.memory_space<hbm>> -> memref<1024000xf32, #tpu.memory_space<hbm>>
    tpu.wait_indirect_dma semaphore(%arg13 : memref<!tpu.dma_semaphore, #tpu.memory_space<semaphore_mem>>) src(%dma_wait3A_73 : memref<1024000xf32, #tpu.memory_space<hbm>>) dst(%dma_wait3A_69 : memref<128xf32, #tpu.memory_space<vmem>>)
    %dma_wait3A_74 = arith.constant 256 : i32
    %dma_wait3A_75 = tpu.memref_slice %arg10[%dma_wait3A_74] : memref<512xf32, #tpu.memory_space<vmem>> -> memref<128xf32, #tpu.memory_space<vmem>>
    %dma_wait3A_76 = arith.constant 256 : i32
    %dma_wait3A_77 = tpu.memref_slice %arg9[%dma_wait3A_76] : memref<512xi32, #tpu.memory_space<vmem>> -> memref<128xi32, #tpu.memory_space<vmem>>
    %dma_wait3A_78 = arith.constant 0 : i32
    %dma_wait3A_79 = tpu.memref_slice %arg4[%dma_wait3A_78] : memref<1024000xf32, #tpu.memory_space<hbm>> -> memref<1024000xf32, #tpu.memory_space<hbm>>
    tpu.wait_indirect_dma semaphore(%arg14 : memref<!tpu.dma_semaphore, #tpu.memory_space<semaphore_mem>>) src(%dma_wait3A_79 : memref<1024000xf32, #tpu.memory_space<hbm>>) dst(%dma_wait3A_75 : memref<128xf32, #tpu.memory_space<vmem>>)
    %dma_wait3A_80 = arith.constant 384 : i32
    %dma_wait3A_81 = tpu.memref_slice %arg10[%dma_wait3A_80] : memref<512xf32, #tpu.memory_space<vmem>> -> memref<128xf32, #tpu.memory_space<vmem>>
    %dma_wait3A_82 = arith.constant 384 : i32
    %dma_wait3A_83 = tpu.memref_slice %arg9[%dma_wait3A_82] : memref<512xi32, #tpu.memory_space<vmem>> -> memref<128xi32, #tpu.memory_space<vmem>>
    %dma_wait3A_84 = arith.constant 0 : i32
    %dma_wait3A_85 = tpu.memref_slice %arg4[%dma_wait3A_84] : memref<1024000xf32, #tpu.memory_space<hbm>> -> memref<1024000xf32, #tpu.memory_space<hbm>>
    tpu.wait_indirect_dma semaphore(%arg15 : memref<!tpu.dma_semaphore, #tpu.memory_space<semaphore_mem>>) src(%dma_wait3A_85 : memref<1024000xf32, #tpu.memory_space<hbm>>) dst(%dma_wait3A_81 : memref<128xf32, #tpu.memory_space<vmem>>)
    %broadcast_in_dim3A = arith.constant 0.000000e+00 : f32
    %broadcast_in_dim3A_86 = vector.broadcast %broadcast_in_dim3A : f32 to vector<16xf32>
    %scan3A_87 = arith.constant 0 : i32
    %scan3A_88 = arith.constant 32 : i32
    %scan3A_89 = arith.addi %scan3A_87, %scan3A_88 : i32
    %scan3A_90 = arith.constant 1 : i32
    %scan3A_91 = scf.for %scan3A_96 = %scan3A_87 to %scan3A_89 step %scan3A_90 iter_args(%scan3A_97 = %broadcast_in_dim3A_86) -> (vector<16xf32>)  : i32 {
      %mul3A_98 = arith.constant 16 : i32
      %mul3A_99 = arith.muli %scan3A_96, %mul3A_98 : i32
      %get3A = arith.index_cast %mul3A_99 : i32 to index
      %get3A_100 = tpu.vector_load %arg10[%get3A] {strides = array<i32>} : memref<512xf32, #tpu.memory_space<vmem>>, vector<16xf32>,
      %get3A_101 = vector.shape_cast %get3A_100 : vector<16xf32> to vector<16xf32>
      %get3A_102 = arith.index_cast %mul3A_99 : i32 to index
      %get3A_103 = tpu.vector_load %arg8[%get3A_102] {strides = array<i32>} : memref<512xf32, #tpu.memory_space<vmem>>, vector<16xf32>,
      %get3A_104 = vector.shape_cast %get3A_103 : vector<16xf32> to vector<16xf32>
      %sub3A = arith.subf %get3A_101, %get3A_104 : vector<16xf32>
      %mul3A_105 = arith.mulf %sub3A, %sub3A : vector<16xf32>
      %add3A_106 = arith.addf %scan3A_97, %mul3A_105 : vector<16xf32>
      scf.yield %add3A_106 : vector<16xf32>
    }
    %scan3A_92 = arith.constant 32 : i32
    %swap3A = arith.constant 0 : index
    %swap3A_93 = tpu.vector_load %arg11[%swap3A] {strides = array<i32>} : memref<16xf32, #tpu.memory_space<vmem>>, vector<16xf32>,
    %swap3A_94 = vector.shape_cast %swap3A_93 : vector<16xf32> to vector<16xf32>
    %swap3A_95 = vector.shape_cast %scan3A_91 : vector<16xf32> to vector<16xf32>
    tpu.vector_store %arg11[%swap3A], %swap3A_95 {strides = array<i32>} : memref<16xf32, #tpu.memory_space<vmem>>, vector<16xf32>,
    "tpu.region"() ({
      %run_scoped3A = tpu.sem_alloc : memref<!tpu.dma_semaphore, #tpu.memory_space<semaphore_mem>>
      %dma_start3A_96 = arith.constant 0 : i32
      %dma_start3A_97 = tpu.memref_slice %arg5[%add3A, %dma_start3A_96] : memref<32x16xf32, #tpu.memory_space<hbm>> -> memref<1x16xf32, #tpu.memory_space<hbm>>
      %dma_start3A_98 = tpu.memref_squeeze %dma_start3A_97 : memref<1x16xf32, #tpu.memory_space<hbm>> -> memref<16xf32, #tpu.memory_space<hbm>>
      %dma_start3A_99 = arith.constant 0 : i32
      %dma_start3A_100 = tpu.memref_slice %arg5[%add3A, %dma_start3A_99] : memref<32x16xf32, #tpu.memory_space<hbm>> -> memref<1x16xf32, #tpu.memory_space<hbm>>
      %dma_start3A_101 = tpu.memref_squeeze %dma_start3A_100 : memref<1x16xf32, #tpu.memory_space<hbm>> -> memref<16xf32, #tpu.memory_space<hbm>>
      tpu.enqueue_dma source(%arg11 : memref<16xf32, #tpu.memory_space<vmem>>) target(%dma_start3A_101 : memref<16xf32, #tpu.memory_space<hbm>>) target_semaphore(%run_scoped3A : memref<!tpu.dma_semaphore, #tpu.memory_space<semaphore_mem>>)
      %dma_wait3A_102 = arith.constant 0 : i32
      %dma_wait3A_103 = tpu.memref_slice %arg5[%add3A, %dma_wait3A_102] : memref<32x16xf32, #tpu.memory_space<hbm>> -> memref<1x16xf32, #tpu.memory_space<hbm>>
      %dma_wait3A_104 = tpu.memref_squeeze %dma_wait3A_103 : memref<1x16xf32, #tpu.memory_space<hbm>> -> memref<16xf32, #tpu.memory_space<hbm>>
      %dma_wait3A_105 = arith.constant 0 : i32
      %dma_wait3A_106 = tpu.memref_slice %arg5[%add3A, %dma_wait3A_105] : memref<32x16xf32, #tpu.memory_space<hbm>> -> memref<1x16xf32, #tpu.memory_space<hbm>>
      %dma_wait3A_107 = tpu.memref_squeeze %dma_wait3A_106 : memref<1x16xf32, #tpu.memory_space<hbm>> -> memref<16xf32, #tpu.memory_space<hbm>>
      tpu.wait_dma2 semaphore(%run_scoped3A : memref<!tpu.dma_semaphore, #tpu.memory_space<semaphore_mem>>) src(%arg11 : memref<16xf32, #tpu.memory_space<vmem>>) dst(%dma_wait3A_107 : memref<16xf32, #tpu.memory_space<hbm>>)
      tpu.yield
    }) : () -> ()
    return
  }
}

module attributes {stable_mosaic.version = 14 : i64} {
  func.func @_matmul_body(%arg0: memref<64x1000xf32, #tpu.memory_space<vmem>>, %arg1: memref<64x1000xf32, #tpu.memory_space<vmem>>, %arg2: memref<1024000xf32, #tpu.memory_space<vmem>>, %arg3: memref<64x1024xf32, #tpu.memory_space<vmem>>) attributes {dimension_semantics = [], scalar_prefetch = 0 : i64, scratch_operands = 1 : i64, tpu.core_type = #tpu.core_type<tc>} {
    %get3A = arith.constant 0 : index
    %get3A_0 = arith.constant 0 : index
    %get3A_1 = vector.load %arg1[%get3A, %get3A_0] : memref<64x1000xf32, #tpu.memory_space<vmem>>, vector<64x1000xf32>
    %swap3A = arith.constant 0 : index
    %swap3A_2 = arith.constant 0 : index
    %swap3A_3 = vector.load %arg3[%swap3A, %swap3A_2] : memref<64x1024xf32, #tpu.memory_space<vmem>>, vector<64x1000xf32>
    tpu.vector_store %arg3[%swap3A, %swap3A_2], %get3A_1 {strides = array<i32>} : memref<64x1024xf32, #tpu.memory_space<vmem>>, vector<64x1000xf32>,
    %broadcast_in_dim3A = arith.constant 0.000000e+00 : f32
    %broadcast_in_dim3A_4 = vector.broadcast %broadcast_in_dim3A : f32 to vector<64x24xf32>
    %swap3A_5 = arith.constant 0 : index
    %swap3A_6 = arith.constant 1000 : index
    %swap3A_7 = vector.load %arg3[%swap3A_5, %swap3A_6] : memref<64x1024xf32, #tpu.memory_space<vmem>>, vector<64x24xf32>
    tpu.vector_store %arg3[%swap3A_5, %swap3A_6], %broadcast_in_dim3A_4 {strides = array<i32>} : memref<64x1024xf32, #tpu.memory_space<vmem>>, vector<64x24xf32>,
    %get3A_8 = arith.constant 0 : index
    %get3A_9 = arith.constant 0 : index
    %get3A_10 = vector.load %arg0[%get3A_8, %get3A_9] : memref<64x1000xf32, #tpu.memory_space<vmem>>, vector<64x1000xf32>
    %get3A_11 = arith.constant 0 : index
    %get3A_12 = arith.constant 0 : index
    %get3A_13 = vector.load %arg3[%get3A_11, %get3A_12] : memref<64x1024xf32, #tpu.memory_space<vmem>>, vector<64x1024xf32>
    %dot_general3A = arith.constant dense<0.000000e+00> : vector<1000x1024xf32>
    %dot_general3A_14 = tpu.matmul %get3A_10, %get3A_13, %dot_general3A {dimension_numbers = #tpu.dot_dimension_numbers<[0], [0], [1], [1], [0, 1, 1, 1], [], []>, transpose_lhs_hint = false} : vector<64x1000xf32>, vector<64x1024xf32>, vector<1000x1024xf32> -> vector<1000x1024xf32>
    %slice3A = vector.extract_strided_slice %dot_general3A_14 {offsets = [0, 0], sizes = [1000, 128], strides = [1, 1]} : vector<1000x1024xf32> to vector<1000x128xf32>
    %reshape3A = vector.shape_cast %slice3A : vector<1000x128xf32> to vector<128000xf32>
    %swap3A_15 = arith.constant 0 : index
    %swap3A_16 = vector.load %arg2[%swap3A_15] : memref<1024000xf32, #tpu.memory_space<vmem>>, vector<128000xf32>
    tpu.vector_store %arg2[%swap3A_15], %reshape3A {strides = array<i32>} : memref<1024000xf32, #tpu.memory_space<vmem>>, vector<128000xf32>,
    %slice3A_17 = vector.extract_strided_slice %dot_general3A_14 {offsets = [0, 128], sizes = [1000, 128], strides = [1, 1]} : vector<1000x1024xf32> to vector<1000x128xf32>
    %reshape3A_18 = vector.shape_cast %slice3A_17 : vector<1000x128xf32> to vector<128000xf32>
    %swap3A_19 = arith.constant 128000 : index
    %swap3A_20 = vector.load %arg2[%swap3A_19] : memref<1024000xf32, #tpu.memory_space<vmem>>, vector<128000xf32>
    tpu.vector_store %arg2[%swap3A_19], %reshape3A_18 {strides = array<i32>} : memref<1024000xf32, #tpu.memory_space<vmem>>, vector<128000xf32>,
    %slice3A_21 = vector.extract_strided_slice %dot_general3A_14 {offsets = [0, 256], sizes = [1000, 128], strides = [1, 1]} : vector<1000x1024xf32> to vector<1000x128xf32>
    %reshape3A_22 = vector.shape_cast %slice3A_21 : vector<1000x128xf32> to vector<128000xf32>
    %swap3A_23 = arith.constant 256000 : index
    %swap3A_24 = vector.load %arg2[%swap3A_23] : memref<1024000xf32, #tpu.memory_space<vmem>>, vector<128000xf32>
    tpu.vector_store %arg2[%swap3A_23], %reshape3A_22 {strides = array<i32>} : memref<1024000xf32, #tpu.memory_space<vmem>>, vector<128000xf32>,
    %slice3A_25 = vector.extract_strided_slice %dot_general3A_14 {offsets = [0, 384], sizes = [1000, 128], strides = [1, 1]} : vector<1000x1024xf32> to vector<1000x128xf32>
    %reshape3A_26 = vector.shape_cast %slice3A_25 : vector<1000x128xf32> to vector<128000xf32>
    %swap3A_27 = arith.constant 384000 : index
    %swap3A_28 = vector.load %arg2[%swap3A_27] : memref<1024000xf32, #tpu.memory_space<vmem>>, vector<128000xf32>
    tpu.vector_store %arg2[%swap3A_27], %reshape3A_26 {strides = array<i32>} : memref<1024000xf32, #tpu.memory_space<vmem>>, vector<128000xf32>,
    %slice3A_29 = vector.extract_strided_slice %dot_general3A_14 {offsets = [0, 512], sizes = [1000, 128], strides = [1, 1]} : vector<1000x1024xf32> to vector<1000x128xf32>
    %reshape3A_30 = vector.shape_cast %slice3A_29 : vector<1000x128xf32> to vector<128000xf32>
    %swap3A_31 = arith.constant 512000 : index
    %swap3A_32 = vector.load %arg2[%swap3A_31] : memref<1024000xf32, #tpu.memory_space<vmem>>, vector<128000xf32>
    tpu.vector_store %arg2[%swap3A_31], %reshape3A_30 {strides = array<i32>} : memref<1024000xf32, #tpu.memory_space<vmem>>, vector<128000xf32>,
    %slice3A_33 = vector.extract_strided_slice %dot_general3A_14 {offsets = [0, 640], sizes = [1000, 128], strides = [1, 1]} : vector<1000x1024xf32> to vector<1000x128xf32>
    %reshape3A_34 = vector.shape_cast %slice3A_33 : vector<1000x128xf32> to vector<128000xf32>
    %swap3A_35 = arith.constant 640000 : index
    %swap3A_36 = vector.load %arg2[%swap3A_35] : memref<1024000xf32, #tpu.memory_space<vmem>>, vector<128000xf32>
    tpu.vector_store %arg2[%swap3A_35], %reshape3A_34 {strides = array<i32>} : memref<1024000xf32, #tpu.memory_space<vmem>>, vector<128000xf32>,
    %slice3A_37 = vector.extract_strided_slice %dot_general3A_14 {offsets = [0, 768], sizes = [1000, 128], strides = [1, 1]} : vector<1000x1024xf32> to vector<1000x128xf32>
    %reshape3A_38 = vector.shape_cast %slice3A_37 : vector<1000x128xf32> to vector<128000xf32>
    %swap3A_39 = arith.constant 768000 : index
    %swap3A_40 = vector.load %arg2[%swap3A_39] : memref<1024000xf32, #tpu.memory_space<vmem>>, vector<128000xf32>
    tpu.vector_store %arg2[%swap3A_39], %reshape3A_38 {strides = array<i32>} : memref<1024000xf32, #tpu.memory_space<vmem>>, vector<128000xf32>,
    %slice3A_41 = vector.extract_strided_slice %dot_general3A_14 {offsets = [0, 896], sizes = [1000, 128], strides = [1, 1]} : vector<1000x1024xf32> to vector<1000x128xf32>
    %reshape3A_42 = vector.shape_cast %slice3A_41 : vector<1000x128xf32> to vector<128000xf32>
    %swap3A_43 = arith.constant 896000 : index
    %swap3A_44 = vector.load %arg2[%swap3A_43] : memref<1024000xf32, #tpu.memory_space<vmem>>, vector<128000xf32>
    tpu.vector_store %arg2[%swap3A_43], %reshape3A_42 {strides = array<i32>} : memref<1024000xf32, #tpu.memory_space<vmem>>, vector<128000xf32>,
    return
  }
}

</mosaic_0001>

<sc_bundles>
// kernel: kernel.4.cloned.1.call-start
scs
__scs_entry_jumppad:
0x0: {  	(pc) =	sbr.rel $0x88, $3  }
0x1: {  	(tag) =	ssettag $0x0;
	lr =	simm.s32 $0x1  }
0x2: {  	[smem:$0x3F9C] =	sst lr;
	_ =	strace $0xD0000000  }
0x3: {  	_ = 	snop  }
0x4: {  	_ = 	snop  }
0x5: {  	_ = 	snop  }
0x6: {  	_ = 	snop  }
0x7: {  	_ = 	snop  }
__scs_overlays_trampoline_lowered:
0x8: {  	[smem:$0x3FAB] =	sst s0  }
0x9: {  	[smem:$0x3FAC] =	sst s1  }
0xa: {  	[smem:$0x3FAD] =	sst s2  }
0xb: {  	[smem:$0x3FAE] =	sst s3  }
0xc: {  	[smem:$0x3FAF] =	sst s4  }
0xd: {  	[smem:$0x3FB0] =	sst s5  }
0xe: {  	[smem:$0x3FB1] =	sst s6  }
0xf: {  	[smem:$0x3FB2] =	sst s7  }
0x10: {  	[smem:$0x3FB3] =	sst s8  }
0x11: {  	[smem:$0x3FB4] =	sst s9;
	s0 =	simm.s32 @!p0 $0x0  }
0x12: {  	s1 =	sld [smem:$0x3F9A];
	s0 =	simm.s32 @p0 $0x1  }
0x13: {  	[smem:$0x3FB5] =	sst s0;
	s0 =	simm.s32 @!p1 $0x0  }
0x14: {  	s2 =	sld [smem:$0x3F99];
	s0 =	simm.s32 @p1 $0x1  }
0x15: {  	[smem:$0x3FB6] =	sst s0;
	s0 =	simm.s32 @!p2 $0x0  }
0x16: {  	s3 =	sld [smem:$0x3FDB];
	s0 =	simm.s32 @p2 $0x1  }
0x17: {  	s4 =	simm.s32 $0x1BF5;
	[smem:$0x3FB8] =	sst s0  }
0x18: {  	s0 =	sld [smem:$0x3F9B];
	_ =	swait.ge [sflag:s4], $0x0  }
0x19: {  	s7 =	sld [smem:$0x3F9C]  }
0x1a: {  	s8 =	sadd.s32 $0xFFFFE003, lr  }
0x1b: {  	s9 =	sadd.s32 $0xFFFFFEF7, lr;
	s5 =	simm.s32 $0xFFFFFFFF;
	p2 =	slt.u32 s8, $0xFFFFF086  }
0x1c: {  	p1 =	slt.u32 s9, $0xF7A;
	s5 =	simm.s32 @!p2 $0x0  }
0x1d: {  	s5 =	simm.s32 @p1 $0x1;
	p0 =	seq.s32 s7, s2  }
0x1e: {  	s7 =	smul.u32 @!p0 $0xF7A, s2;
	p2 =	seq.s32 @!p0 s5, $0x0  }
0x1f: {  	s9 =	smul.u32 $0xF7A, s1;
	s8 =	simm.s32 @!p0 $0x1BF5;
	p2 =	por !p2, p0  }
0x20: {  	[sflag:s8] =	ssyncset.s32 @!p0 $0xFFFFF086;
	s6 =	sadd.s32 @!p0 s3, s7;
	s7 =	simm.s32 @!p0 $0x108  }
0x21: {  	s3 =	sadd.s32 s3, s9;
	s6 =	sadd.s32 @!p0 $0x88, s6;
	s7 =	simm.s32 @p2 $0x1082  }
0x22: {  	[simem:s7], [sflag:s8] =	dma.local @!p0 [hbm:s6], $0xF7A  }
0x23: {  	s9 =	sor.u32 $0xD0000000, s2;
	s6 =	simm.s32 $0x108;
	_ =	swait.ge @!p0 [sflag:s8], $0x0  }
0x24: {  	s3 =	sadd.s32 $0x88, s3;
	s6 =	simm.s32 @!p1 $0x1082;
	[sflag:s4] =	ssyncset.s32 $0xFFFFF086  }
0x25: {  	[simem:s6], [sflag:s4] =	dma.local [hbm:s3], $0xF7A  }
0x26: {  	[smem:$0x3F9C] =	sst s1;
	(tag) =	ssettag s2;
	_ =	strace s9  }
0x27: {  	s1 =	sld [smem:$0x3FAC]  }
0x28: {  	s2 =	sld [smem:$0x3FAD]  }
0x29: {  	s4 =	sld [smem:$0x3FAF]  }
0x2a: {  	p0 =	seq.s32 s5, $0x0;
	s5 =	sld [smem:$0x3FB0]  }
0x2b: {  	s6 =	sld [smem:$0x3FB1]  }
0x2c: {  	s7 =	sld [smem:$0x3FB2]  }
0x2d: {  	s3 =	simm.s32 $0x108;
	s8 =	sld [smem:$0x3FB3]  }
0x2e: {  	s3 =	simm.s32 @!p0 $0x1082;
	s9 =	sld [smem:$0x3FB4]  }
0x2f: {  	lr =	sadd.s32 s0, s3;
	s0 =	sld [smem:$0x3FAB]  }
0x30: {  	s3 =	sld [smem:$0x3FAE]  }
0x31: {  	[smem:$0x3FB7] =	sst s10  }
0x32: {  	s10 =	sld [smem:$0x3FB5];
	_ =	sdelay $0x3  }
0x33: {  	p0 =	seq.s32 s10, $0x1;
	s10 =	sld [smem:$0x3FB7];
	_ =	sdelay $0x3  }
0x34: {  	[smem:$0x3FB7] =	sst s10  }
0x35: {  	s10 =	sld [smem:$0x3FB6];
	_ =	sdelay $0x3  }
0x36: {  	p1 =	seq.s32 s10, $0x1;
	s10 =	sld [smem:$0x3FB7];
	_ =	sdelay $0x3  }
0x37: {  	[smem:$0x3FB7] =	sst s10  }
0x38: {  	s10 =	sld [smem:$0x3FB8]  }
0x39: {  	_ = 	snop;
	(pc) =	sbr.ind lr, $3  }
0x3a: {  	_ = 	snop  }
0x3b: {  	_ = 	snop  }
0x3c: {  	p2 =	seq.s32 s10, $0x1;
	s10 =	sld [smem:$0x3FB7]  }
0x3d: {  	_ =	shalt  }
0x3e: {  	_ =	shalt  }
0x3f: {  	_ =	shalt  }
0x40: {  	_ =	shalt  }
0x41: {  	_ =	shalt  }
0x42: {  	_ =	shalt  }
0x43: {  	_ =	shalt  }
0x44: {  	_ =	shalt  }
0x45: {  	_ =	shalt  }
0x46: {  	_ =	shalt  }
0x47: {  	_ =	shalt  }
0x48: {  	_ =	shalt  }
0x49: {  	_ =	shalt  }
0x4a: {  	_ =	shalt  }
0x4b: {  	_ =	shalt  }
0x4c: {  	_ =	shalt  }
0x4d: {  	_ =	shalt  }
0x4e: {  	_ =	shalt  }
0x4f: {  	_ =	shalt  }
0x50: {  	_ =	shalt  }
0x51: {  	_ =	shalt  }
0x52: {  	_ =	shalt  }
0x53: {  	_ =	shalt  }
0x54: {  	_ =	shalt  }
0x55: {  	_ =	shalt  }
0x56: {  	_ =	shalt  }
0x57: {  	_ =	shalt  }
0x58: {  	_ =	shalt  }
0x59: {  	_ =	shalt  }
0x5a: {  	_ =	shalt  }
0x5b: {  	_ =	shalt  }
0x5c: {  	_ =	shalt  }
0x5d: {  	_ =	shalt  }
0x5e: {  	_ =	shalt  }
0x5f: {  	_ =	shalt  }
0x60: {  	_ =	shalt  }
0x61: {  	_ =	shalt  }
0x62: {  	_ =	shalt  }
0x63: {  	_ =	shalt  }
0x64: {  	_ =	shalt  }
0x65: {  	_ =	shalt  }
0x66: {  	_ =	shalt  }
0x67: {  	_ =	shalt  }
0x68: {  	_ =	shalt  }
0x69: {  	_ =	shalt  }
0x6a: {  	_ =	shalt  }
0x6b: {  	_ =	shalt  }
0x6c: {  	_ =	shalt  }
0x6d: {  	_ =	shalt  }
0x6e: {  	_ =	shalt  }
0x6f: {  	_ =	shalt  }
0x70: {  	_ =	shalt  }
0x71: {  	_ =	shalt  }
0x72: {  	_ =	shalt  }
0x73: {  	_ =	shalt  }
0x74: {  	_ =	shalt  }
0x75: {  	_ =	shalt  }
0x76: {  	_ =	shalt  }
0x77: {  	_ =	shalt  }
0x78: {  	_ =	shalt  }
0x79: {  	_ =	shalt  }
0x7a: {  	_ =	shalt  }
0x7b: {  	_ =	shalt  }
0x7c: {  	_ =	shalt  }
0x7d: {  	_ =	shalt  }
0x7e: {  	_ =	shalt  }
0x7f: {  	_ =	shalt  }
0x80: {  	_ =	shalt  }
0x81: {  	_ =	shalt  }
0x82: {  	_ =	shalt  }
0x83: {  	_ =	shalt  }
0x84: {  	_ =	shalt  }
0x85: {  	_ =	shalt  }
0x86: {  	_ =	shalt  }
0x87: {  	_ =	shalt  }
.Lfunc_end0:
.L_simem_size_0:
called_computation_lowered:
.L_overlay_start_0:
0x88: {  	s2 =	sld [smem:$0x3FD9]  }
0x89: {  	s3 =	sld [smem:$0x3FFE];
	_ =	sdelay $0x1  }
0x8a: {  	s1 =	srdreg.scid  }
0x8b: {  	s0 =	sand.u32 $0x1, s1  }
0x8c: {  	s17 =	sshll.u32 s0, $0xA;
	s2 =	sadd.s32 s3, s2  }
0x8d: {  	s2 =	sadd.s32 s2, s17  }
0x8e: {  	[smem:$0x3FC3] =	sst s2  }
0x8f: {  	_ = 	snop  }
0x90: {  	s2 =	sld [smem:$0x3FC9];
	(tm) =	ssettm $0x1  }
0x91: {  	s18 =	sld [smem:$0x3FFB];
	_ =	sdelay $0x3  }
0x92: {  	_ =	strace s18  }
0x93: {  	s3 =	sld [smem:$0x3FFC];
	_ =	sdelay $0x3  }
0x94: {  	_ =	strace s3  }
0x95: {  	s3 =	sld [smem:$0x3FFD];
	_ =	sdelay $0x3  }
0x96: {  	_ =	strace s3  }
0x97: {  	_ =	strace $0x8FFFFFFF  }
0x98: {  	s19 =	sld [smem:$0x3FDB];
	_ =	sdelay $0x1  }
0x99: {  	s4 =	simm.s32 $_scs_section_size  }
0x9a: {  	s5 =	simm.s32 $_size__tile_overlayer_lowered;
	s6 =	simm.s32 $_tile_overlayer_lowered  }
0x9b: {  	s22 =	simm.s32 $0x1BFF;
	s21 =	sshll.u32 s6, $0x1;
	s3 =	sadd.s32 s4, s19  }
0x9c: {  	s7 =	simm.s32 $0x0;
	s20 =	sshll.u32 s5, $0x1;
	s5 =	sadd.s32 s21, s3  }
0x9d: {  	[timem:s7], [sflag:s22] =	dma.local [hbm:s5], s20  }
0x9e: {  	_ =	swait.ge [sflag:s22], s20  }
0x9f: {  	s4 =	ssub.s32 $0x0, s20;
	[sflag:s22] =	ssyncset.done $0x0  }
0xa0: {  	[sflag:s22] =	ssyncadd.s32 s4;
	_ =	sdelay $0x1  }
0xa1: {  	s23 =	simm.s32 $0x1B8B  }
0xa2: {  	_ =	swait.ge [sflag:s23], $0x1  }
0xa3: {  	[sflag:s23] =	ssyncset.done $0x0  }
0xa4: {  	s25 =	simm.s32 $0x1B8E;
	s24 =	sld [smem:$0x3FFE];
	[sflag:s23] =	ssyncadd.s32 $0xFFFFFFFF  }
0xa5: {  	s26 =	simm.s32 $execute0_lowered;
	[smem:$0x3FD2] =	sst s25  }
0xa6: {  	s5 =	sshll.u32 s26, $0x1;
	_ =	strace $0x80000046;
	[dreg:$0x1] =	wrdreg $0xFFFFFFFF  }
0xa7: {  	s28 =	simm.s32 $_size_execute0_lowered;
	s3 =	sadd.s32 s3, s5;
	[dreg:$0x0] =	wrdreg $0x0  }
0xa8: {  	s5 =	sshll.u32 s28, $0x1;
	[dreg:$0x2] =	wrdreg s3  }
0xa9: {  	[dreg:$0x3] =	wrdreg s5  }
0xaa: {  	[dreg:$0x4] =	wrdreg $0xC0  }
0xab: {  	_ =	task [dreg:s7], $0x5FFFF  }
0xac: {  	[dreg:$0x1] =	wrdreg $0xFFFFFFFF  }
0xad: {  	[dreg:$0x0] =	wrdreg $0x60  }
0xae: {  	[dreg:$0x2] =	wrdreg s24  }
0xaf: {  	[dreg:$0x3] =	wrdreg s2  }
0xb0: {  	[dreg:$0x4] =	wrdreg $0x9  }
0xb1: {  	_ =	task.clear_ibuf [dreg:s7], $0x5FFFF;
	_ =	strace $0x90000046  }
0xb2: {  	s29 =	simm.s32 $0x9;
	_ =	strace $0x80000048  }
0xb3: {  	_ =	swait.ge [sflag:s29], $0x1  }
0xb4: {  	[sflag:s29] =	ssyncadd.s32 $0xFFFFFFFF  }
0xb5: {  	_ =	strace $0x90000048  }
0xb6: {  	_ =	sfence  }
0xb7: {  	s30 =	sld [smem:$0x0];
	_ =	sdelay $0x2  }
0xb8: {  	s31 =	sshll.u32 s1, $0xD;
	s1 =	sshrl.u32 s1, $0x2  }
0xb9: {  	s3 =	sand.u32 $0x4000, s31;
	s1 =	sadd.s32 s1, s30  }
0xba: {  	s0 =	sor.u32 s3, s0;
	s1 =	sshll.u32 s1, $0x11  }
0xbb: {  	s0 =	sor.u32 s1, s0  }
0xbc: {  	s0 =	sadd.s32 $0x8F2B, s0  }
0xbd: {  	[sflag:s0] =	ssyncadd.remote.s32 $0x1  }
0xbe: {  	_ =	sfence.sel $0xFFFF  }
0xbf: {  	[dreg:$0x0] =	wrdreg $0xFFFFFFFF;
	(pc) =	sbr.abs _section_cstart, $3  }
0xc0: {  	[dreg:$0x1] =	wrdreg $0xFFFFFFFF  }
0xc1: {  	_ =	task.clear_ibuf [dreg:s7], $0x2FFFF;
	_ =	strace $0x9FFFFFFF  }
0xc2: {  	(tm) =	ssettm $0x7FFFFFFF  }
0xc3: {  	_ =	shalt  }
tec
execute0_lowered:
.L_overlay_start_1:
0x0: {  	(tag) =	ssettag $0x1  }
0x1: {  	s4 =	rddreg [dreg:$0x0]  }
0x2: {  	s6 =	rddreg [dreg:$0x1]  }
0x3: {  	s3 =	srdreg.scid;
	s1 =	stileid.u32;
	s2 =	simm.s32 $0x0  }
0x4: {  	s11 =	simm.s32 $0x5;
	s12 =	simm.s32 $0x6;
	s13 =	simm.s32 $0x80  }
0x5: {  	s14 =	simm.s32 $0x600;
	s15 =	simm.s32 $0x800;
	s16 =	simm.s32 $0x680  }
0x6: {  	s17 =	simm.s32 $0x880;
	s18 =	simm.s32 $0x700;
	s19 =	simm.s32 $0x900  }
0x7: {  	s20 =	simm.s32 $0x780;
	s21 =	simm.s32 $0x980;
	s22 =	simm.s32 $0x7  }
0x8: {  	s23 =	simm.s32 $0x1;
	s24 =	simm.s32 $0x2;
	s25 =	simm.s32 $0x3  }
0x9: {  	s26 =	simm.s32 $0x4;
	s28 =	simm.s32 $0xA00;
	s29 =	simm.s32 $0x8  }
0xa: {  	s3 =	sand.u32 $0x1, s3;
	s5 =	sshll.u32 s1, $0x1;
	[smem:$0x7FF] =	sst s2  }
0xb: {  	s30 =	simm.s32 $0x0;
	s5 =	sor.u32 s3, s5;
	_ =	strace $0x80000047  }
0xc: {  	s9 =	ssub.s32 $0x2, s3;
	s3 =	sadd.s32 $0x1600, s4;
	s7 =	sshll.u32 s5, $0x6  }
0xd: {  	s5 =	sshll.u32 s5, $0x1;
	s31 =	sshrl.u32 s9, $0x1;
	s8 =	sadd.s32 s7, s4  }
0xe: {  	s10 =	sadd.s32 s5, s4;
	s9 =	ssub.s32 s9, s31;
	s6 =	sadd.s32 s6, s7  }
0xf: {  	s4 =	sadd.s32 $0x600, s8;
	s5 =	sadd.s32 $0xE00, s8;
	s7 =	sadd.s32 $0x20A00, s10  }
0x10: {  	s8 =	smax.u32 s9, $0x1;
	s9 =	simm.s32 $0x200;
	s10 =	simm.s32 $0x400  }
.LBB2_1:
0x11: {  	[tilespmem:s2], [sflag:$0x5] =	stream.linear.gather [hbm4b:s4+s2], $0x200, $0x38;
	[tilespmem:$0xA10] =	vst v63  }
0x12: {  	_ = 	snop  }
0x13: {  	[tilespmem:s9], [sflag:$0x6] =	stream.linear.gather [hbm4b:s5+s2], $0x200, $0x38;
	[tilespmem:$0xA10] =	vst v63  }
0x14: {  	_ = 	snop  }
0x15: {  	[tilespmem:s10], [sflag:$0x7] =	stream.linear.gather [hbm4b:s6+s2], $0x200, $0x38;
	[tilespmem:$0xA10] =	vst v63  }
0x16: {  	_ =	swait.ge [sflag:s11], $0x200  }
0x17: {  	[sflag:s11] =	ssyncset.done $0x0  }
0x18: {  	[sflag:s11] =	ssyncadd.s32 $0xFFFFFE00  }
0x19: {  	_ =	swait.ge [sflag:s12], $0x200  }
0x1a: {  	[sflag:s12] =	ssyncset.done $0x0  }
0x1b: {  	[sflag:s12] =	ssyncadd.s32 $0xFFFFFE00  }
0x1c: {  	v0 =	vld [tilespmem:$0x200]  }
0x1d: {  	v1 =	vld [tilespmem:$0x210]  }
0x1e: {  	v2 =	vld [tilespmem:$0x0]  }
0x1f: {  	v3 =	vld [tilespmem:$0x10]  }
0x20: {  	v6 =	vld [tilespmem:$0x230]  }
0x21: {  	v9 =	vld [tilespmem:$0x30]  }
0x22: {  	v24 =	vld [tilespmem:$0x240]  }
0x23: {  	v25 =	vld [tilespmem:$0x250]  }
0x24: {  	v11 =	vld [tilespmem:$0x40]  }
0x25: {  	v27 =	vld [tilespmem:$0x50];
	v5 =	vshrl.u32 v0, $0x7;
	v7 =	vshrl.u32 v1, $0x7  }
0x26: {  	v4 =	vld [tilespmem:$0x220];
	v2 =	vshll.u32 v2, $0x7;
	v0 =	vand.u32 $0x7F, v0;
	v3 =	vshll.u32 v3, $0x7  }
0x27: {  	v29 =	vld [tilespmem:$0x260];
	v1 =	vand.u32 $0x7F, v1;
	v10 =	vshrl.u32 v6, $0x7;
	v28 =	vshll.u32 v9, $0x7  }
0x28: {  	v8 =	vld [tilespmem:$0x20];
	v30 =	vshrl.u32 v24, $0x7;
	v6 =	vand.u32 $0x7F, v6;
	v5 =	vmul.u32 $0x1F400, v5  }
0x29: {  	v12 =	vshrl.u32 v25, $0x7;
	v32 =	vshll.u32 v11, $0x7;
	v7 =	vmul.u32 $0x1F400, v7  }
0x2a: {  	v31 =	vld [tilespmem:$0x270];
	v35 =	vand.u32 $0x7F, v24;
	v36 =	vshll.u32 v27, $0x7;
	v2 =	vadd.s32 v2, v5  }
0x2b: {  	v0 =	vor.u32 v0, v2;
	v2 =	vadd.s32 v3, v7;
	v3 =	vshrl.u32 v4, $0x7  }
0x2c: {  	v37 =	vshrl.u32 v29, $0x7;
	v26 =	vmul.u32 $0x1F400, v10;
	v3 =	vmul.u32 $0x1F400, v3  }
0x2d: {  	v13 =	vld [tilespmem:$0x60];
	v33 =	vmul.u32 $0x1F400, v12;
	v1 =	vor.u32 v1, v2;
	v2 =	vshll.u32 v8, $0x7  }
0x2e: {  	v34 =	vld [tilespmem:$0x70];
	v2 =	vadd.s32 v2, v3;
	v3 =	vand.u32 $0x7F, v4;
	v4 =	vmul.u32 $0x1F400, v30  }
0x2f: {  	v38 =	vshrl.u32 v31, $0x7;
	[tilespmem:$0x600] =	vst v0;
	v2 =	vor.u32 v3, v2;
	v3 =	vadd.s32 v28, v26  }
0x30: {  	[tilespmem:$0x610] =	vst v1;
	v1 =	vadd.s32 v36, v33;
	v3 =	vor.u32 v6, v3;
	v0 =	vadd.s32 v32, v4  }
0x31: {  	[tilespmem:$0x620] =	vst v2;
	v2 =	vand.u32 $0x7F, v25;
	v4 =	vmul.u32 $0x1F400, v37;
	v0 =	vor.u32 v35, v0  }
0x32: {  	[tilespmem:$0x630] =	vst v3;
	v1 =	vor.u32 v2, v1;
	v2 =	vshll.u32 v13, $0x7;
	v3 =	vmul.u32 $0x1F400, v38  }
0x33: {  	v39 =	vshll.u32 v34, $0x7;
	[tilespmem:$0x640] =	vst v0;
	v0 =	vadd.s32 v2, v4;
	v2 =	vand.u32 $0x7F, v29  }
0x34: {  	[tilespmem:$0x650] =	vst v1;
	v0 =	vor.u32 v2, v0;
	v1 =	vadd.s32 v39, v3;
	v2 =	vand.u32 $0x7F, v31  }
0x35: {  	[tilespmem:$0x660] =	vst v0;
	v0 =	vor.u32 v2, v1  }
0x36: {  	[tilespmem:$0x670] =	vst v0  }
0x37: {  	[tilespmem:s15], [sflag:$0x1] =	stream.indirect.gather [hbm4b:s3+s13], $0x1, s14, s13, $0xb8;
	[tilespmem:$0xA10] =	vst v63  }
0x38: {  	v0 =	vld [tilespmem:$0x280]  }
0x39: {  	v1 =	vld [tilespmem:$0x290]  }
0x3a: {  	v2 =	vld [tilespmem:$0x80]  }
0x3b: {  	v3 =	vld [tilespmem:$0x90]  }
0x3c: {  	v42 =	vld [tilespmem:$0x2B0]  }
0x3d: {  	v45 =	vld [tilespmem:$0xB0]  }
0x3e: {  	v46 =	vld [tilespmem:$0x2C0]  }
0x3f: {  	v47 =	vld [tilespmem:$0x2D0]  }
0x40: {  	v49 =	vld [tilespmem:$0xC0]  }
0x41: {  	v51 =	vld [tilespmem:$0xD0]  }
0x42: {  	v53 =	vld [tilespmem:$0x2E0];
	v41 =	vshrl.u32 v0, $0x7;
	v43 =	vshrl.u32 v1, $0x7  }
0x43: {  	v55 =	vld [tilespmem:$0x2F0];
	v2 =	vshll.u32 v2, $0x7;
	v0 =	vand.u32 $0x7F, v0;
	v3 =	vshll.u32 v3, $0x7  }
0x44: {  	v40 =	vld [tilespmem:$0x2A0];
	v1 =	vand.u32 $0x7F, v1;
	v48 =	vshrl.u32 v42, $0x7;
	v52 =	vshll.u32 v45, $0x7  }
0x45: {  	v54 =	vshrl.u32 v46, $0x7;
	v6 =	vand.u32 $0x7F, v42;
	v56 =	vshrl.u32 v47, $0x7  }
0x46: {  	v44 =	vld [tilespmem:$0xA0];
	v58 =	vshll.u32 v49, $0x7;
	v61 =	vand.u32 $0x7F, v46;
	v5 =	vmul.u32 $0x1F400, v41  }
0x47: {  	v62 =	vshll.u32 v51, $0x7;
	v63 =	vshrl.u32 v53, $0x7;
	v7 =	vmul.u32 $0x1F400, v43  }
0x48: {  	v10 =	vshrl.u32 v55, $0x7;
	v4 =	vmul.u32 $0x1F400, v54;
	v2 =	vadd.s32 v2, v5  }
0x49: {  	v0 =	vor.u32 v0, v2;
	v2 =	vadd.s32 v3, v7;
	v3 =	vshrl.u32 v40, $0x7  }
0x4a: {  	v57 =	vld [tilespmem:$0xE0];
	v50 =	vmul.u32 $0x1F400, v48;
	v59 =	vmul.u32 $0x1F400, v56;
	v3 =	vmul.u32 $0x1F400, v3  }
0x4b: {  	v60 =	vld [tilespmem:$0xF0];
	v1 =	vor.u32 v1, v2;
	v2 =	vshll.u32 v44, $0x7;
	[tilespmem:$0x680] =	vst v0;
	v0 =	vadd.s32 v58, v4  }
0x4c: {  	v4 =	vmul.u32 $0x1F400, v63;
	v2 =	vadd.s32 v2, v3;
	v3 =	vand.u32 $0x7F, v40  }
0x4d: {  	[tilespmem:$0x690] =	vst v1;
	v0 =	vor.u32 v61, v0;
	v2 =	vor.u32 v3, v2;
	v3 =	vadd.s32 v52, v50  }
0x4e: {  	v1 =	vadd.s32 v62, v59;
	v3 =	vor.u32 v6, v3;
	[tilespmem:$0x6A0] =	vst v2;
	v2 =	vand.u32 $0x7F, v47  }
0x4f: {  	[tilespmem:$0x6B0] =	vst v3;
	v1 =	vor.u32 v2, v1;
	v2 =	vshll.u32 v57, $0x7;
	v3 =	vmul.u32 $0x1F400, v10  }
0x50: {  	v11 =	vshll.u32 v60, $0x7;
	[tilespmem:$0x6C0] =	vst v0;
	v0 =	vadd.s32 v2, v4;
	v2 =	vand.u32 $0x7F, v53  }
0x51: {  	[tilespmem:$0x6D0] =	vst v1;
	v0 =	vor.u32 v2, v0;
	v1 =	vadd.s32 v11, v3;
	v2 =	vand.u32 $0x7F, v55  }
0x52: {  	[tilespmem:$0x6E0] =	vst v0;
	v0 =	vor.u32 v2, v1  }
0x53: {  	[tilespmem:$0x6F0] =	vst v0  }
0x54: {  	[tilespmem:s17], [sflag:$0x2] =	stream.indirect.gather [hbm4b:s3+s13], $0x1, s16, s13, $0xb8;
	[tilespmem:$0xA10] =	vst v63  }
0x55: {  	v0 =	vld [tilespmem:$0x300]  }
0x56: {  	v1 =	vld [tilespmem:$0x310]  }
0x57: {  	v2 =	vld [tilespmem:$0x100]  }
0x58: {  	v3 =	vld [tilespmem:$0x110]  }
0x59: {  	v14 =	vld [tilespmem:$0x330]  }
0x5a: {  	v17 =	vld [tilespmem:$0x130]  }
0x5b: {  	v18 =	vld [tilespmem:$0x340]  }
0x5c: {  	v19 =	vld [tilespmem:$0x350]  }
0x5d: {  	v21 =	vld [tilespmem:$0x140]  }
0x5e: {  	v23 =	vld [tilespmem:$0x150]  }
0x5f: {  	v25 =	vld [tilespmem:$0x360];
	v13 =	vshrl.u32 v0, $0x7;
	v15 =	vshrl.u32 v1, $0x7  }
0x60: {  	v27 =	vld [tilespmem:$0x370];
	v2 =	vshll.u32 v2, $0x7;
	v0 =	vand.u32 $0x7F, v0;
	v3 =	vshll.u32 v3, $0x7  }
0x61: {  	v12 =	vld [tilespmem:$0x320];
	v1 =	vand.u32 $0x7F, v1;
	v20 =	vshrl.u32 v14, $0x7;
	v24 =	vshll.u32 v17, $0x7  }
0x62: {  	v26 =	vshrl.u32 v18, $0x7;
	v6 =	vand.u32 $0x7F, v14;
	v28 =	vshrl.u32 v19, $0x7  }
0x63: {  	v16 =	vld [tilespmem:$0x120];
	v30 =	vshll.u32 v21, $0x7;
	v33 =	vand.u32 $0x7F, v18;
	v5 =	vmul.u32 $0x1F400, v13  }
0x64: {  	v34 =	vshll.u32 v23, $0x7;
	v35 =	vshrl.u32 v25, $0x7;
	v7 =	vmul.u32 $0x1F400, v15  }
0x65: {  	v36 =	vshrl.u32 v27, $0x7;
	v4 =	vmul.u32 $0x1F400, v26;
	v2 =	vadd.s32 v2, v5  }
0x66: {  	v0 =	vor.u32 v0, v2;
	v2 =	vadd.s32 v3, v7;
	v3 =	vshrl.u32 v12, $0x7  }
0x67: {  	v29 =	vld [tilespmem:$0x160];
	v22 =	vmul.u32 $0x1F400, v20;
	v31 =	vmul.u32 $0x1F400, v28;
	v3 =	vmul.u32 $0x1F400, v3  }
0x68: {  	v32 =	vld [tilespmem:$0x170];
	v1 =	vor.u32 v1, v2;
	v2 =	vshll.u32 v16, $0x7;
	[tilespmem:$0x700] =	vst v0;
	v0 =	vadd.s32 v30, v4  }
0x69: {  	v4 =	vmul.u32 $0x1F400, v35;
	v2 =	vadd.s32 v2, v3;
	v3 =	vand.u32 $0x7F, v12  }
0x6a: {  	[tilespmem:$0x710] =	vst v1;
	v0 =	vor.u32 v33, v0;
	v2 =	vor.u32 v3, v2;
	v3 =	vadd.s32 v24, v22  }
0x6b: {  	v1 =	vadd.s32 v34, v31;
	v3 =	vor.u32 v6, v3;
	[tilespmem:$0x720] =	vst v2;
	v2 =	vand.u32 $0x7F, v19  }
0x6c: {  	[tilespmem:$0x730] =	vst v3;
	v1 =	vor.u32 v2, v1;
	v2 =	vshll.u32 v29, $0x7;
	v3 =	vmul.u32 $0x1F400, v36  }
0x6d: {  	v37 =	vshll.u32 v32, $0x7;
	[tilespmem:$0x740] =	vst v0;
	v0 =	vadd.s32 v2, v4;
	v2 =	vand.u32 $0x7F, v25  }
0x6e: {  	[tilespmem:$0x750] =	vst v1;
	v0 =	vor.u32 v2, v0;
	v1 =	vadd.s32 v37, v3;
	v2 =	vand.u32 $0x7F, v27  }
0x6f: {  	[tilespmem:$0x760] =	vst v0;
	v0 =	vor.u32 v2, v1  }
0x70: {  	[tilespmem:$0x770] =	vst v0  }
0x71: {  	[tilespmem:s19], [sflag:$0x3] =	stream.indirect.gather [hbm4b:s3+s13], $0x1, s18, s13, $0xb8;
	[tilespmem:$0xA10] =	vst v63  }
0x72: {  	v0 =	vld [tilespmem:$0x380]  }
0x73: {  	v1 =	vld [tilespmem:$0x390]  }
0x74: {  	v2 =	vld [tilespmem:$0x180]  }
0x75: {  	v3 =	vld [tilespmem:$0x190]  }
0x76: {  	v40 =	vld [tilespmem:$0x3B0]  }
0x77: {  	v43 =	vld [tilespmem:$0x1B0]  }
0x78: {  	v44 =	vld [tilespmem:$0x3C0]  }
0x79: {  	v45 =	vld [tilespmem:$0x3D0]  }
0x7a: {  	v47 =	vld [tilespmem:$0x1C0]  }
0x7b: {  	v49 =	vld [tilespmem:$0x1D0]  }
0x7c: {  	v51 =	vld [tilespmem:$0x3E0];
	v39 =	vshrl.u32 v0, $0x7;
	v41 =	vshrl.u32 v1, $0x7  }
0x7d: {  	v53 =	vld [tilespmem:$0x3F0];
	v2 =	vshll.u32 v2, $0x7;
	v0 =	vand.u32 $0x7F, v0;
	v3 =	vshll.u32 v3, $0x7  }
0x7e: {  	v38 =	vld [tilespmem:$0x3A0];
	v1 =	vand.u32 $0x7F, v1;
	v46 =	vshrl.u32 v40, $0x7;
	v50 =	vshll.u32 v43, $0x7  }
0x7f: {  	v52 =	vshrl.u32 v44, $0x7;
	v6 =	vand.u32 $0x7F, v40;
	v54 =	vshrl.u32 v45, $0x7  }
0x80: {  	v42 =	vld [tilespmem:$0x1A0];
	v56 =	vshll.u32 v47, $0x7;
	v59 =	vand.u32 $0x7F, v44;
	v5 =	vmul.u32 $0x1F400, v39  }
0x81: {  	v60 =	vshll.u32 v49, $0x7;
	v61 =	vshrl.u32 v51, $0x7;
	v7 =	vmul.u32 $0x1F400, v41  }
0x82: {  	v62 =	vshrl.u32 v53, $0x7;
	v4 =	vmul.u32 $0x1F400, v52;
	v2 =	vadd.s32 v2, v5  }
0x83: {  	v0 =	vor.u32 v0, v2;
	v2 =	vadd.s32 v3, v7;
	v3 =	vshrl.u32 v38, $0x7  }
0x84: {  	v55 =	vld [tilespmem:$0x1E0];
	v48 =	vmul.u32 $0x1F400, v46;
	v57 =	vmul.u32 $0x1F400, v54;
	v3 =	vmul.u32 $0x1F400, v3  }
0x85: {  	v58 =	vld [tilespmem:$0x1F0];
	v1 =	vor.u32 v1, v2;
	v2 =	vshll.u32 v42, $0x7;
	[tilespmem:$0x780] =	vst v0;
	v0 =	vadd.s32 v56, v4  }
0x86: {  	v4 =	vmul.u32 $0x1F400, v61;
	v2 =	vadd.s32 v2, v3;
	v3 =	vand.u32 $0x7F, v38  }
0x87: {  	[tilespmem:$0x790] =	vst v1;
	v0 =	vor.u32 v59, v0;
	v2 =	vor.u32 v3, v2;
	v3 =	vadd.s32 v50, v48  }
0x88: {  	v1 =	vadd.s32 v60, v57;
	v3 =	vor.u32 v6, v3;
	[tilespmem:$0x7A0] =	vst v2;
	v2 =	vand.u32 $0x7F, v45  }
0x89: {  	[tilespmem:$0x7B0] =	vst v3;
	v1 =	vor.u32 v2, v1;
	v2 =	vshll.u32 v55, $0x7;
	v3 =	vmul.u32 $0x1F400, v62  }
0x8a: {  	v63 =	vshll.u32 v58, $0x7;
	[tilespmem:$0x7C0] =	vst v0;
	v0 =	vadd.s32 v2, v4;
	v2 =	vand.u32 $0x7F, v51  }
0x8b: {  	[tilespmem:$0x7D0] =	vst v1;
	v0 =	vor.u32 v2, v0;
	v1 =	vadd.s32 v63, v3;
	v2 =	vand.u32 $0x7F, v53  }
0x8c: {  	[tilespmem:$0x7E0] =	vst v0;
	v0 =	vor.u32 v2, v1  }
0x8d: {  	[tilespmem:$0x7F0] =	vst v0  }
0x8e: {  	[tilespmem:s21], [sflag:$0x4] =	stream.indirect.gather [hbm4b:s3+s13], $0x1, s20, s13, $0xb8;
	[tilespmem:$0xA10] =	vst v63  }
0x8f: {  	_ =	swait.ge [sflag:s22], $0x200  }
0x90: {  	[sflag:s22] =	ssyncset.done $0x0  }
0x91: {  	[sflag:s22] =	ssyncadd.s32 $0xFFFFFE00  }
0x92: {  	_ =	swait.ge [sflag:s23], $0x80  }
0x93: {  	[sflag:s23] =	ssyncset.done $0x0  }
0x94: {  	[sflag:s23] =	ssyncadd.s32 $0xFFFFFF80  }
0x95: {  	_ =	swait.ge [sflag:s24], $0x80  }
0x96: {  	[sflag:s24] =	ssyncset.done $0x0  }
0x97: {  	[sflag:s24] =	ssyncadd.s32 $0xFFFFFF80  }
0x98: {  	_ =	swait.ge [sflag:s25], $0x80  }
0x99: {  	[sflag:s25] =	ssyncset.done $0x0  }
0x9a: {  	[sflag:s25] =	ssyncadd.s32 $0xFFFFFF80  }
0x9b: {  	_ =	swait.ge [sflag:s26], $0x80  }
0x9c: {  	[sflag:s26] =	ssyncset.done $0x0  }
0x9d: {  	s0 =	simm.s32 $0x0;
	[sflag:s26] =	ssyncadd.s32 $0xFFFFFF80  }
0x9e: {  	v1 =	vld [tilespmem:s0+$0x800]  }
0x9f: {  	v2 =	vld [tilespmem:s0+$0x400];
	_ =	sdelay $0x2  }
0xa0: {  	s31 =	simm.s32 $0x40;
	v0 =	vimm.f32 $0.0e+00  }
.LBB2_2:
0xa1: {  	s0 =	sshra.s32 s31, $0x2;
	p0 =	sne.s32 s31, $0x7C0  }
.Ltmp0:
0xa2: {  	s31 =	sadd.s32 $0x40, s31;
	v3 =	vsub.f32 v1, v2;
	v1 =	vld [tilespmem:s0+$0x800];
	(pc) =	sbr.rel @p0 .LBB2_2-.Ltmp0, $3  }
0xa3: {  	v2 =	vld [tilespmem:s0+$0x400]  }
0xa4: {  	v3 =	vmul.f32 v3, v3;
	_ =	sdelay $0x1  }
0xa5: {  	v0 =	vadd.f32 v3, v0  }
0xa6: {  	_ = 	snop  }
0xa7: {  	v1 =	vsub.f32 v1, v2;
	_ =	sdelay $0x1  }
0xa8: {  	v1 =	vmul.f32 v1, v1;
	_ =	sdelay $0x1  }
0xa9: {  	s30 =	sadd.s32 $0x1, s30;
	v0 =	vadd.f32 v1, v0  }
0xaa: {  	p0 =	sne.s32 s30, s8  }
.Ltmp1:
0xab: {  	[tilespmem:$0xA00] =	vst v0;
	(pc) =	sbr.rel @p0 .LBB2_1-.Ltmp1, $4  }
0xac: {  	[hbm4b:s7+s2] =	stream.linear.scatter [tilespmem:s28], [sflag:$0x8], $0x10, $0x38;
	[tilespmem:$0xA10] =	vst v63  }
0xad: {  	_ =	swait.ge [sflag:s29], $0x10  }
0xae: {  	[sflag:s29] =	ssyncset.done $0x0  }
0xaf: {  	[sflag:s29] =	ssyncadd.s32 $0xFFFFFFF0  }
0xb0: {  	_ =	sfence.sel $0x180000  }
0xb1: {  	[bflag:$0x0] =	sbarrier.arrive $0xFFFF  }
0xb2: {  	_ =	strace $0x90000047  }
0xb3: {  	[bflag:$0x2] =	sbarrier.arrive $0xFFFF  }
0xb4: {  	p0 =	sne.s32 s1, $0x0;
	s0 =	rddreg [dreg:$0x2]  }
0xb5: {  	s0 =	sadd.s32 @!p0 $0x100000, s0  }
0xb6: {  	[sflag:s0] =	ssyncadd.tile.s32 @!p0 $0x1;
	_ =	shalt  }
.Lfunc_end2:
_tile_overlayer_lowered:
.L_overlay_start_2:
0xb7: {  	(tag) =	ssettag $0x2  }
0xb8: {  	s0 =	rddreg [dreg:$0x0];
	s2 =	stileid.u32  }
0xb9: {  	s1 =	rddreg [dreg:$0x1];
	p0 =	sne.s32 s2, $0x0  }
0xba: {  	s3 =	rddreg [dreg:$0x2];
	[bflag:$0x3] =	sbarrier.arrive $0xFFFF;
	s2 =	simm.s32 @!p0 $0x1C08  }
0xbb: {  	[timem:s3], [sflag:s2] =	dma.local @!p0 [hbm:s0], s1  }
0xbc: {  	s0 =	simm.s32 @!p0 $0x8  }
0xbd: {  	_ =	swait.ge @!p0 [sflag:s0], s1  }
0xbe: {  	s1 =	ssub.s32 @!p0 $0x0, s1;
	[sflag:s0] =	ssyncset.done @!p0 $0x0  }
0xbf: {  	[sflag:s0] =	ssyncadd.s32 @!p0 s1  }
0xc0: {  	[bflag:$0x3] =	sbarrier.arrive $0xFFFF  }
0xc1: {  	_ =	shalt  }

</sc_bundles>
